<compile_context>
chip_gen: v7x
topology: tpu7x:2x2x1
jax: 0.10.2.dev20260603
libtpu: 0.0.44.dev20260713+nightly
codegen_flags: <defaults>
</compile_context>

<pallas_src>
import functools

import jax
import jax.numpy as jnp
from jax import lax
from jax.experimental import pallas as pl
from jax.experimental.pallas import tpu as pltpu
from jax.experimental.pallas import tpu_sc as plsc

CHUNK = 128


@functools.lru_cache(maxsize=None)
def _build(B, S, V, D):
    info = plsc.get_sparse_core_info()
    NC, NS, L = info.num_cores, info.num_subcores, info.num_lanes
    NW = NC * NS
    NB = B // CHUNK
    n_chunks = S * NB
    chunks_per_w = n_chunks // NW
    mesh = plsc.VectorSubcoreMesh(core_axis_name="c", subcore_axis_name="s")

    @functools.partial(
        pl.kernel,
        mesh=mesh,
        compiler_params=pltpu.CompilerParams(
            use_tc_tiling_on_sc=False, needs_layout_passes=False
        ),
        out_type=jax.ShapeDtypeStruct((S, D // 8, NB, 8, CHUNK), jnp.float32),
        scratch_types=[
            pltpu.VMEM((chunks_per_w, CHUNK), jnp.int32),
            pltpu.VMEM((CHUNK, D), jnp.float32),
            pltpu.VMEM((D // 8, 8, CHUNK), jnp.float32),
            pltpu.SemaphoreType.DMA,
        ],
    )
    def k(idx_hbm, table_hbm, out_hbm, idx_v, rows_v, tbuf_v, sem):
        wid = lax.axis_index("s") * NC + lax.axis_index("c")
        g0 = wid * chunks_per_w
        pltpu.sync_copy(idx_hbm.at[pl.ds(g0, chunks_per_w)], idx_v)

        lane = lax.iota(jnp.int32, L)
        row_ids = [lane + jnp.int32(gi * L) for gi in range(CHUNK // L)]

        def body(gg, carry):
            g = g0 + gg
            s = g // NB
            bb = g % NB
            pltpu.async_copy(table_hbm.at[idx_v.at[gg]], rows_v, sem).wait()

            def col(c, carry2):
                cvec = jnp.full((L,), 0, jnp.int32) + c
                for gi in range(CHUNK // L):
                    vals = plsc.load_gather(rows_v, [row_ids[gi], cvec])
                    tbuf_v[c // 8, c % 8, pl.ds(gi * L, L)] = vals
                return carry2

            lax.fori_loop(0, D, col, 0)
            pltpu.sync_copy(tbuf_v, out_hbm.at[s, :, bb])
            return carry

        lax.fori_loop(0, chunks_per_w, body, 0)

    return k


def kernel(x, table):
    B, S = x.shape
    V, D = table.shape
    idx2d = x.T.reshape(S * B // CHUNK, CHUNK).astype(jnp.int32)
    out = _build(B, S, V, D)(idx2d, table)
    return out.transpose(2, 4, 0, 1, 3).reshape(B, S, D)

# --- scband reference (transcript-rebuilt; emitter-appended) ---
"""Pipeline reference for scband-token-embed-2791728742556 (READ-ONLY COPY).

The authoritative reference and input builder live on the scoring server;
editing this copy changes nothing except your own understanding.
"""

import jax, jax.numpy as jnp
import numpy as np

VOCAB = 1000000
D_MODEL = 64
BATCH = 4096
SEQ = 200

def setup_inputs(seed: int = 0) -> dict:
    key = jax.random.key(seed)
    k_idx, k_tab = jax.random.split(key)
    x = jax.random.randint(k_idx, (BATCH, SEQ), 0, VOCAB, dtype=jnp.int64 if jax.config.jax_enable_x64 else jnp.int32)
    # flax nn.Embed default init: normal(stddev=1.0) scaled by default embedding_init (variance scaling default is normal with stddev 1/sqrt? flax uses default_embed_init = variance_scaling(1.0, 'fan_in', 'normal', out_axis=0))
    table = jax.random.normal(k_tab, (VOCAB, D_MODEL), dtype=jnp.float32) * (1.0 / np.sqrt(D_MODEL))
    return {"x": x, "table": table}

def reference(x, table):
    # TokenEmbed.__call__: self.shared(x) -> embedding gather
    return jnp.take(table, x, axis=0)

if __name__ == "__main__":
    import jax
    _d = setup_inputs()
    print(jax.jit(kernel)(*tuple(_d.values())))

</pallas_src>

<mosaic_0001>
#map = affine_map<(d0, d1) -> (0, 0)>
#map1 = affine_map<(d0, d1) -> (0, 0, 0, 0, 0)>
module attributes {stable_mosaic.version = 14 : i64} {
  func.func @k(%arg0: i32, %arg1: i32, %arg2: memref<6400x128xi32, #tpu.memory_space<hbm>>, %arg3: memref<1000000x64xf32, #tpu.memory_space<hbm>>, %arg4: memref<200x8x32x8x128xf32, #tpu.memory_space<hbm>>, %arg5: memref<200x128xi32, #tpu.memory_space<vmem>>, %arg6: memref<128x64xf32, #tpu.memory_space<vmem>>, %arg7: memref<8x8x128xf32, #tpu.memory_space<vmem>>, %arg8: memref<!tpu.dma_semaphore, #tpu.memory_space<semaphore_mem>>) attributes {dimension_semantics = [#tpu.dimension_semantics<core_parallel>, #tpu.dimension_semantics<subcore_parallel>], iteration_bounds = array<i64: 2, 16>, scalar_prefetch = 0 : i64, scratch_operands = 4 : i64, tpu.core_type = #tpu.core_type<sc_vector_subcore>, window_params = [{transform_indices = #map}, {transform_indices = #map}, {transform_indices = #map1}]} {
    %mul3A = arith.constant 2 : i32
    %mul3A_0 = arith.muli %arg1, %mul3A : i32
    %add3A = arith.addi %mul3A_0, %arg0 : i32
    %mul3A_1 = arith.constant 200 : i32
    %mul3A_2 = arith.muli %add3A, %mul3A_1 : i32
    "tpu.region"() ({
      %run_scoped3A = tpu.sem_alloc : memref<!tpu.dma_semaphore, #tpu.memory_space<semaphore_mem>>
      %dma_start3A = arith.constant 0 : i32
      %dma_start3A_32 = tpu.memref_slice %arg2[%mul3A_2, %dma_start3A] : memref<6400x128xi32, #tpu.memory_space<hbm>> -> memref<200x128xi32, #tpu.memory_space<hbm>>
      %dma_start3A_33 = arith.constant 0 : i32
      %dma_start3A_34 = tpu.memref_slice %arg2[%mul3A_2, %dma_start3A_33] : memref<6400x128xi32, #tpu.memory_space<hbm>> -> memref<200x128xi32, #tpu.memory_space<hbm>>
      tpu.enqueue_dma source(%dma_start3A_34 : memref<200x128xi32, #tpu.memory_space<hbm>>) target(%arg5 : memref<200x128xi32, #tpu.memory_space<vmem>>) target_semaphore(%run_scoped3A : memref<!tpu.dma_semaphore, #tpu.memory_space<semaphore_mem>>)
      %dma_wait3A = arith.constant 0 : i32
      %dma_wait3A_35 = tpu.memref_slice %arg2[%mul3A_2, %dma_wait3A] : memref<6400x128xi32, #tpu.memory_space<hbm>> -> memref<200x128xi32, #tpu.memory_space<hbm>>
      %dma_wait3A_36 = arith.constant 0 : i32
      %dma_wait3A_37 = tpu.memref_slice %arg2[%mul3A_2, %dma_wait3A_36] : memref<6400x128xi32, #tpu.memory_space<hbm>> -> memref<200x128xi32, #tpu.memory_space<hbm>>
      tpu.wait_dma2 semaphore(%run_scoped3A : memref<!tpu.dma_semaphore, #tpu.memory_space<semaphore_mem>>) src(%dma_wait3A_37 : memref<200x128xi32, #tpu.memory_space<hbm>>) dst(%arg5 : memref<200x128xi32, #tpu.memory_space<vmem>>)
      tpu.yield
    }) : () -> ()
    %iota3A = tpu.iota {dimensions = array<i32: 0>} : vector<16xi32>
    %add3A_3 = arith.constant 0 : i32
    %add3A_4 = vector.broadcast %add3A_3 : i32 to vector<16xi32>
    %add3A_5 = arith.addi %iota3A, %add3A_4 : vector<16xi32>
    %add3A_6 = arith.constant 16 : i32
    %add3A_7 = vector.broadcast %add3A_6 : i32 to vector<16xi32>
    %add3A_8 = arith.addi %iota3A, %add3A_7 : vector<16xi32>
    %add3A_9 = arith.constant 32 : i32
    %add3A_10 = vector.broadcast %add3A_9 : i32 to vector<16xi32>
    %add3A_11 = arith.addi %iota3A, %add3A_10 : vector<16xi32>
    %add3A_12 = arith.constant 48 : i32
    %add3A_13 = vector.broadcast %add3A_12 : i32 to vector<16xi32>
    %add3A_14 = arith.addi %iota3A, %add3A_13 : vector<16xi32>
    %add3A_15 = arith.constant 64 : i32
    %add3A_16 = vector.broadcast %add3A_15 : i32 to vector<16xi32>
    %add3A_17 = arith.addi %iota3A, %add3A_16 : vector<16xi32>
    %add3A_18 = arith.constant 80 : i32
    %add3A_19 = vector.broadcast %add3A_18 : i32 to vector<16xi32>
    %add3A_20 = arith.addi %iota3A, %add3A_19 : vector<16xi32>
    %add3A_21 = arith.constant 96 : i32
    %add3A_22 = vector.broadcast %add3A_21 : i32 to vector<16xi32>
    %add3A_23 = arith.addi %iota3A, %add3A_22 : vector<16xi32>
    %add3A_24 = arith.constant 112 : i32
    %add3A_25 = vector.broadcast %add3A_24 : i32 to vector<16xi32>
    %add3A_26 = arith.addi %iota3A, %add3A_25 : vector<16xi32>
    %scan3A = arith.constant 0 : i32
    %scan3A_27 = arith.constant 0 : i32
    %scan3A_28 = arith.constant 200 : i32
    %scan3A_29 = arith.addi %scan3A_27, %scan3A_28 : i32
    %scan3A_30 = arith.constant 1 : i32
    scf.for %scan3A_32 = %scan3A_27 to %scan3A_29 step %scan3A_30  : i32 {
      %add3A_33 = arith.addi %mul3A_2, %scan3A_32 : i32
      %jit3A = arith.constant 32 : i32
      %div3A = arith.divsi %add3A_33, %jit3A : i32
      %sign3A = arith.constant 0 : i32
      %sign3A_34 = arith.cmpi sgt, %add3A_33, %sign3A : i32
      %sign3A_35 = arith.extui %sign3A_34 : i1 to i32
      %sign3A_36 = arith.constant 0 : i32
      %sign3A_37 = arith.cmpi slt, %add3A_33, %sign3A_36 : i32
      %sign3A_38 = arith.extui %sign3A_37 : i1 to i32
      %sign3A_39 = arith.subi %sign3A_35, %sign3A_38 : i32
      %sign3A_40 = arith.constant 0 : i32
      %sign3A_41 = arith.cmpi sgt, %jit3A, %sign3A_40 : i32
      %sign3A_42 = arith.extui %sign3A_41 : i1 to i32
      %sign3A_43 = arith.constant 0 : i32
      %sign3A_44 = arith.cmpi slt, %jit3A, %sign3A_43 : i32
      %sign3A_45 = arith.extui %sign3A_44 : i1 to i32
      %sign3A_46 = arith.subi %sign3A_42, %sign3A_45 : i32
      %ne3A = arith.cmpi ne, %sign3A_39, %sign3A_46 : i32
      %rem3A = arith.remsi %add3A_33, %jit3A : i32
      %ne3A_47 = arith.constant 0 : i32
      %ne3A_48 = arith.cmpi ne, %rem3A, %ne3A_47 : i32
      %and3A = arith.andi %ne3A, %ne3A_48 : i1
      %sub3A = arith.constant 1 : i32
      %sub3A_49 = arith.subi %div3A, %sub3A : i32
      %select_n3A = arith.select %and3A, %sub3A_49, %div3A : i32
      %jit3A_50 = arith.constant 32 : i32
      %eq3A = arith.constant 0 : i32
      %eq3A_51 = arith.cmpi eq, %jit3A_50, %eq3A : i32
      %jit3A_52 = arith.constant 1 : i32
      %select_n3A_53 = arith.select %eq3A_51, %jit3A_52, %jit3A_50 : i32
      %rem3A_54 = arith.remsi %add3A_33, %select_n3A_53 : i32
      %ne3A_55 = arith.constant 0 : i32
      %ne3A_56 = arith.cmpi ne, %rem3A_54, %ne3A_55 : i32
      %lt3A = arith.constant 0 : i32
      %lt3A_57 = arith.cmpi slt, %rem3A_54, %lt3A : i32
      %lt3A_58 = arith.constant 0 : i32
      %lt3A_59 = arith.cmpi slt, %select_n3A_53, %lt3A_58 : i32
      %ne3A_60 = arith.xori %lt3A_57, %lt3A_59 : i1
      %and3A_61 = arith.andi %ne3A_60, %ne3A_56 : i1
      %add3A_62 = arith.addi %rem3A_54, %select_n3A_53 : i32
      %select_n3A_63 = arith.select %and3A_61, %add3A_62, %rem3A_54 : i32
      %dma_start3A = arith.constant 0 : i32
      %dma_start3A_64 = tpu.memref_slice %arg5[%scan3A_32, %dma_start3A] : memref<200x128xi32, #tpu.memory_space<vmem>> -> memref<1x128xi32, #tpu.memory_space<vmem>>
      %dma_start3A_65 = tpu.memref_squeeze %dma_start3A_64 : memref<1x128xi32, #tpu.memory_space<vmem>> -> memref<128xi32, #tpu.memory_space<vmem>>
      %dma_start3A_66 = arith.constant 0 : i32
      %dma_start3A_67 = arith.constant 0 : i32
      %dma_start3A_68 = tpu.memref_slice %arg3[%dma_start3A_66, %dma_start3A_67] : memref<1000000x64xf32, #tpu.memory_space<hbm>> -> memref<1000000x64xf32, #tpu.memory_space<hbm>>
      tpu.enqueue_indirect_dma source(%dma_start3A_68 : memref<1000000x64xf32, #tpu.memory_space<hbm>>) target(%arg6 : memref<128x64xf32, #tpu.memory_space<vmem>>) offsets(%dma_start3A_65 : memref<128xi32, #tpu.memory_space<vmem>>) semaphore(%arg8 : memref<!tpu.dma_semaphore, #tpu.memory_space<semaphore_mem>>)
      %dma_wait3A = arith.constant 0 : i32
      %dma_wait3A_69 = tpu.memref_slice %arg5[%scan3A_32, %dma_wait3A] : memref<200x128xi32, #tpu.memory_space<vmem>> -> memref<1x128xi32, #tpu.memory_space<vmem>>
      %dma_wait3A_70 = tpu.memref_squeeze %dma_wait3A_69 : memref<1x128xi32, #tpu.memory_space<vmem>> -> memref<128xi32, #tpu.memory_space<vmem>>
      %dma_wait3A_71 = arith.constant 0 : i32
      %dma_wait3A_72 = arith.constant 0 : i32
      %dma_wait3A_73 = tpu.memref_slice %arg3[%dma_wait3A_71, %dma_wait3A_72] : memref<1000000x64xf32, #tpu.memory_space<hbm>> -> memref<1000000x64xf32, #tpu.memory_space<hbm>>
      tpu.wait_indirect_dma semaphore(%arg8 : memref<!tpu.dma_semaphore, #tpu.memory_space<semaphore_mem>>) src(%dma_wait3A_73 : memref<1000000x64xf32, #tpu.memory_space<hbm>>) dst(%arg6 : memref<128x64xf32, #tpu.memory_space<vmem>>)
      %scan3A_74 = arith.constant 0 : i32
      %scan3A_75 = arith.constant 0 : i32
      %scan3A_76 = arith.constant 64 : i32
      %scan3A_77 = arith.addi %scan3A_75, %scan3A_76 : i32
      %scan3A_78 = arith.constant 1 : i32
      scf.for %scan3A_80 = %scan3A_75 to %scan3A_77 step %scan3A_78  : i32 {
        %broadcast_in_dim3A = arith.constant 0 : i32
        %broadcast_in_dim3A_81 = vector.broadcast %broadcast_in_dim3A : i32 to vector<16xi32>
        %add3A_82 = vector.broadcast %scan3A_80 : i32 to vector<16xi32>
        %add3A_83 = arith.addi %broadcast_in_dim3A_81, %add3A_82 : vector<16xi32>
        %gather3A = tpu.vector_load_idx %arg6[%add3A_5, %add3A_83] : memref<128x64xf32, #tpu.memory_space<vmem>>[vector<16xi32>, vector<16xi32>], vector<16xf32>,
        %jit3A_84 = arith.constant 8 : i32
        %div3A_85 = arith.divsi %scan3A_80, %jit3A_84 : i32
        %sign3A_86 = arith.constant 0 : i32
        %sign3A_87 = arith.cmpi sgt, %scan3A_80, %sign3A_86 : i32
        %sign3A_88 = arith.extui %sign3A_87 : i1 to i32
        %sign3A_89 = arith.constant 0 : i32
        %sign3A_90 = arith.cmpi slt, %scan3A_80, %sign3A_89 : i32
        %sign3A_91 = arith.extui %sign3A_90 : i1 to i32
        %sign3A_92 = arith.subi %sign3A_88, %sign3A_91 : i32
        %sign3A_93 = arith.constant 0 : i32
        %sign3A_94 = arith.cmpi sgt, %jit3A_84, %sign3A_93 : i32
        %sign3A_95 = arith.extui %sign3A_94 : i1 to i32
        %sign3A_96 = arith.constant 0 : i32
        %sign3A_97 = arith.cmpi slt, %jit3A_84, %sign3A_96 : i32
        %sign3A_98 = arith.extui %sign3A_97 : i1 to i32
        %sign3A_99 = arith.subi %sign3A_95, %sign3A_98 : i32
        %ne3A_100 = arith.cmpi ne, %sign3A_92, %sign3A_99 : i32
        %rem3A_101 = arith.remsi %scan3A_80, %jit3A_84 : i32
        %ne3A_102 = arith.constant 0 : i32
        %ne3A_103 = arith.cmpi ne, %rem3A_101, %ne3A_102 : i32
        %and3A_104 = arith.andi %ne3A_100, %ne3A_103 : i1
        %sub3A_105 = arith.constant 1 : i32
        %sub3A_106 = arith.subi %div3A_85, %sub3A_105 : i32
        %select_n3A_107 = arith.select %and3A_104, %sub3A_106, %div3A_85 : i32
        %jit3A_108 = arith.constant 8 : i32
        %eq3A_109 = arith.constant 0 : i32
        %eq3A_110 = arith.cmpi eq, %jit3A_108, %eq3A_109 : i32
        %jit3A_111 = arith.constant 1 : i32
        %select_n3A_112 = arith.select %eq3A_110, %jit3A_111, %jit3A_108 : i32
        %rem3A_113 = arith.remsi %scan3A_80, %select_n3A_112 : i32
        %ne3A_114 = arith.constant 0 : i32
        %ne3A_115 = arith.cmpi ne, %rem3A_113, %ne3A_114 : i32
        %lt3A_116 = arith.constant 0 : i32
        %lt3A_117 = arith.cmpi slt, %rem3A_113, %lt3A_116 : i32
        %lt3A_118 = arith.constant 0 : i32
        %lt3A_119 = arith.cmpi slt, %select_n3A_112, %lt3A_118 : i32
        %ne3A_120 = arith.xori %lt3A_117, %lt3A_119 : i1
        %and3A_121 = arith.andi %ne3A_120, %ne3A_115 : i1
        %add3A_122 = arith.addi %rem3A_113, %select_n3A_112 : i32
        %select_n3A_123 = arith.select %and3A_121, %add3A_122, %rem3A_113 : i32
        %swap3A = arith.index_cast %select_n3A_107 : i32 to index
        %swap3A_124 = arith.index_cast %select_n3A_123 : i32 to index
        %swap3A_125 = arith.constant 0 : index
        %swap3A_126 = tpu.vector_load %arg7[%swap3A, %swap3A_124, %swap3A_125] {strides = array<i32>} : memref<8x8x128xf32, #tpu.memory_space<vmem>>, vector<16xf32>,
        tpu.vector_store %arg7[%swap3A, %swap3A_124, %swap3A_125], %gather3A {strides = array<i32>} : memref<8x8x128xf32, #tpu.memory_space<vmem>>, vector<16xf32>,
        %gather3A_127 = tpu.vector_load_idx %arg6[%add3A_8, %add3A_83] : memref<128x64xf32, #tpu.memory_space<vmem>>[vector<16xi32>, vector<16xi32>], vector<16xf32>,
        %jit3A_128 = arith.constant 8 : i32
        %div3A_129 = arith.divsi %scan3A_80, %jit3A_128 : i32
        %sign3A_130 = arith.constant 0 : i32
        %sign3A_131 = arith.cmpi sgt, %scan3A_80, %sign3A_130 : i32
        %sign3A_132 = arith.extui %sign3A_131 : i1 to i32
        %sign3A_133 = arith.constant 0 : i32
        %sign3A_134 = arith.cmpi slt, %scan3A_80, %sign3A_133 : i32
        %sign3A_135 = arith.extui %sign3A_134 : i1 to i32
        %sign3A_136 = arith.subi %sign3A_132, %sign3A_135 : i32
        %sign3A_137 = arith.constant 0 : i32
        %sign3A_138 = arith.cmpi sgt, %jit3A_128, %sign3A_137 : i32
        %sign3A_139 = arith.extui %sign3A_138 : i1 to i32
        %sign3A_140 = arith.constant 0 : i32
        %sign3A_141 = arith.cmpi slt, %jit3A_128, %sign3A_140 : i32
        %sign3A_142 = arith.extui %sign3A_141 : i1 to i32
        %sign3A_143 = arith.subi %sign3A_139, %sign3A_142 : i32
        %ne3A_144 = arith.cmpi ne, %sign3A_136, %sign3A_143 : i32
        %rem3A_145 = arith.remsi %scan3A_80, %jit3A_128 : i32
        %ne3A_146 = arith.constant 0 : i32
        %ne3A_147 = arith.cmpi ne, %rem3A_145, %ne3A_146 : i32
        %and3A_148 = arith.andi %ne3A_144, %ne3A_147 : i1
        %sub3A_149 = arith.constant 1 : i32
        %sub3A_150 = arith.subi %div3A_129, %sub3A_149 : i32
        %select_n3A_151 = arith.select %and3A_148, %sub3A_150, %div3A_129 : i32
        %jit3A_152 = arith.constant 8 : i32
        %eq3A_153 = arith.constant 0 : i32
        %eq3A_154 = arith.cmpi eq, %jit3A_152, %eq3A_153 : i32
        %jit3A_155 = arith.constant 1 : i32
        %select_n3A_156 = arith.select %eq3A_154, %jit3A_155, %jit3A_152 : i32
        %rem3A_157 = arith.remsi %scan3A_80, %select_n3A_156 : i32
        %ne3A_158 = arith.constant 0 : i32
        %ne3A_159 = arith.cmpi ne, %rem3A_157, %ne3A_158 : i32
        %lt3A_160 = arith.constant 0 : i32
        %lt3A_161 = arith.cmpi slt, %rem3A_157, %lt3A_160 : i32
        %lt3A_162 = arith.constant 0 : i32
        %lt3A_163 = arith.cmpi slt, %select_n3A_156, %lt3A_162 : i32
        %ne3A_164 = arith.xori %lt3A_161, %lt3A_163 : i1
        %and3A_165 = arith.andi %ne3A_164, %ne3A_159 : i1
        %add3A_166 = arith.addi %rem3A_157, %select_n3A_156 : i32
        %select_n3A_167 = arith.select %and3A_165, %add3A_166, %rem3A_157 : i32
        %swap3A_168 = arith.index_cast %select_n3A_151 : i32 to index
        %swap3A_169 = arith.index_cast %select_n3A_167 : i32 to index
        %swap3A_170 = arith.constant 16 : index
        %swap3A_171 = tpu.vector_load %arg7[%swap3A_168, %swap3A_169, %swap3A_170] {strides = array<i32>} : memref<8x8x128xf32, #tpu.memory_space<vmem>>, vector<16xf32>,
        tpu.vector_store %arg7[%swap3A_168, %swap3A_169, %swap3A_170], %gather3A_127 {strides = array<i32>} : memref<8x8x128xf32, #tpu.memory_space<vmem>>, vector<16xf32>,
        %gather3A_172 = tpu.vector_load_idx %arg6[%add3A_11, %add3A_83] : memref<128x64xf32, #tpu.memory_space<vmem>>[vector<16xi32>, vector<16xi32>], vector<16xf32>,
        %jit3A_173 = arith.constant 8 : i32
        %div3A_174 = arith.divsi %scan3A_80, %jit3A_173 : i32
        %sign3A_175 = arith.constant 0 : i32
        %sign3A_176 = arith.cmpi sgt, %scan3A_80, %sign3A_175 : i32
        %sign3A_177 = arith.extui %sign3A_176 : i1 to i32
        %sign3A_178 = arith.constant 0 : i32
        %sign3A_179 = arith.cmpi slt, %scan3A_80, %sign3A_178 : i32
        %sign3A_180 = arith.extui %sign3A_179 : i1 to i32
        %sign3A_181 = arith.subi %sign3A_177, %sign3A_180 : i32
        %sign3A_182 = arith.constant 0 : i32
        %sign3A_183 = arith.cmpi sgt, %jit3A_173, %sign3A_182 : i32
        %sign3A_184 = arith.extui %sign3A_183 : i1 to i32
        %sign3A_185 = arith.constant 0 : i32
        %sign3A_186 = arith.cmpi slt, %jit3A_173, %sign3A_185 : i32
        %sign3A_187 = arith.extui %sign3A_186 : i1 to i32
        %sign3A_188 = arith.subi %sign3A_184, %sign3A_187 : i32
        %ne3A_189 = arith.cmpi ne, %sign3A_181, %sign3A_188 : i32
        %rem3A_190 = arith.remsi %scan3A_80, %jit3A_173 : i32
        %ne3A_191 = arith.constant 0 : i32
        %ne3A_192 = arith.cmpi ne, %rem3A_190, %ne3A_191 : i32
        %and3A_193 = arith.andi %ne3A_189, %ne3A_192 : i1
        %sub3A_194 = arith.constant 1 : i32
        %sub3A_195 = arith.subi %div3A_174, %sub3A_194 : i32
        %select_n3A_196 = arith.select %and3A_193, %sub3A_195, %div3A_174 : i32
        %jit3A_197 = arith.constant 8 : i32
        %eq3A_198 = arith.constant 0 : i32
        %eq3A_199 = arith.cmpi eq, %jit3A_197, %eq3A_198 : i32
        %jit3A_200 = arith.constant 1 : i32
        %select_n3A_201 = arith.select %eq3A_199, %jit3A_200, %jit3A_197 : i32
        %rem3A_202 = arith.remsi %scan3A_80, %select_n3A_201 : i32
        %ne3A_203 = arith.constant 0 : i32
        %ne3A_204 = arith.cmpi ne, %rem3A_202, %ne3A_203 : i32
        %lt3A_205 = arith.constant 0 : i32
        %lt3A_206 = arith.cmpi slt, %rem3A_202, %lt3A_205 : i32
        %lt3A_207 = arith.constant 0 : i32
        %lt3A_208 = arith.cmpi slt, %select_n3A_201, %lt3A_207 : i32
        %ne3A_209 = arith.xori %lt3A_206, %lt3A_208 : i1
        %and3A_210 = arith.andi %ne3A_209, %ne3A_204 : i1
        %add3A_211 = arith.addi %rem3A_202, %select_n3A_201 : i32
        %select_n3A_212 = arith.select %and3A_210, %add3A_211, %rem3A_202 : i32
        %swap3A_213 = arith.index_cast %select_n3A_196 : i32 to index
        %swap3A_214 = arith.index_cast %select_n3A_212 : i32 to index
        %swap3A_215 = arith.constant 32 : index
        %swap3A_216 = tpu.vector_load %arg7[%swap3A_213, %swap3A_214, %swap3A_215] {strides = array<i32>} : memref<8x8x128xf32, #tpu.memory_space<vmem>>, vector<16xf32>,
        tpu.vector_store %arg7[%swap3A_213, %swap3A_214, %swap3A_215], %gather3A_172 {strides = array<i32>} : memref<8x8x128xf32, #tpu.memory_space<vmem>>, vector<16xf32>,
        %gather3A_217 = tpu.vector_load_idx %arg6[%add3A_14, %add3A_83] : memref<128x64xf32, #tpu.memory_space<vmem>>[vector<16xi32>, vector<16xi32>], vector<16xf32>,
        %jit3A_218 = arith.constant 8 : i32
        %div3A_219 = arith.divsi %scan3A_80, %jit3A_218 : i32
        %sign3A_220 = arith.constant 0 : i32
        %sign3A_221 = arith.cmpi sgt, %scan3A_80, %sign3A_220 : i32
        %sign3A_222 = arith.extui %sign3A_221 : i1 to i32
        %sign3A_223 = arith.constant 0 : i32
        %sign3A_224 = arith.cmpi slt, %scan3A_80, %sign3A_223 : i32
        %sign3A_225 = arith.extui %sign3A_224 : i1 to i32
        %sign3A_226 = arith.subi %sign3A_222, %sign3A_225 : i32
        %sign3A_227 = arith.constant 0 : i32
        %sign3A_228 = arith.cmpi sgt, %jit3A_218, %sign3A_227 : i32
        %sign3A_229 = arith.extui %sign3A_228 : i1 to i32
        %sign3A_230 = arith.constant 0 : i32
        %sign3A_231 = arith.cmpi slt, %jit3A_218, %sign3A_230 : i32
        %sign3A_232 = arith.extui %sign3A_231 : i1 to i32
        %sign3A_233 = arith.subi %sign3A_229, %sign3A_232 : i32
        %ne3A_234 = arith.cmpi ne, %sign3A_226, %sign3A_233 : i32
        %rem3A_235 = arith.remsi %scan3A_80, %jit3A_218 : i32
        %ne3A_236 = arith.constant 0 : i32
        %ne3A_237 = arith.cmpi ne, %rem3A_235, %ne3A_236 : i32
        %and3A_238 = arith.andi %ne3A_234, %ne3A_237 : i1
        %sub3A_239 = arith.constant 1 : i32
        %sub3A_240 = arith.subi %div3A_219, %sub3A_239 : i32
        %select_n3A_241 = arith.select %and3A_238, %sub3A_240, %div3A_219 : i32
        %jit3A_242 = arith.constant 8 : i32
        %eq3A_243 = arith.constant 0 : i32
        %eq3A_244 = arith.cmpi eq, %jit3A_242, %eq3A_243 : i32
        %jit3A_245 = arith.constant 1 : i32
        %select_n3A_246 = arith.select %eq3A_244, %jit3A_245, %jit3A_242 : i32
        %rem3A_247 = arith.remsi %scan3A_80, %select_n3A_246 : i32
        %ne3A_248 = arith.constant 0 : i32
        %ne3A_249 = arith.cmpi ne, %rem3A_247, %ne3A_248 : i32
        %lt3A_250 = arith.constant 0 : i32
        %lt3A_251 = arith.cmpi slt, %rem3A_247, %lt3A_250 : i32
        %lt3A_252 = arith.constant 0 : i32
        %lt3A_253 = arith.cmpi slt, %select_n3A_246, %lt3A_252 : i32
        %ne3A_254 = arith.xori %lt3A_251, %lt3A_253 : i1
        %and3A_255 = arith.andi %ne3A_254, %ne3A_249 : i1
        %add3A_256 = arith.addi %rem3A_247, %select_n3A_246 : i32
        %select_n3A_257 = arith.select %and3A_255, %add3A_256, %rem3A_247 : i32
        %swap3A_258 = arith.index_cast %select_n3A_241 : i32 to index
        %swap3A_259 = arith.index_cast %select_n3A_257 : i32 to index
        %swap3A_260 = arith.constant 48 : index
        %swap3A_261 = tpu.vector_load %arg7[%swap3A_258, %swap3A_259, %swap3A_260] {strides = array<i32>} : memref<8x8x128xf32, #tpu.memory_space<vmem>>, vector<16xf32>,
        tpu.vector_store %arg7[%swap3A_258, %swap3A_259, %swap3A_260], %gather3A_217 {strides = array<i32>} : memref<8x8x128xf32, #tpu.memory_space<vmem>>, vector<16xf32>,
        %gather3A_262 = tpu.vector_load_idx %arg6[%add3A_17, %add3A_83] : memref<128x64xf32, #tpu.memory_space<vmem>>[vector<16xi32>, vector<16xi32>], vector<16xf32>,
        %jit3A_263 = arith.constant 8 : i32
        %div3A_264 = arith.divsi %scan3A_80, %jit3A_263 : i32
        %sign3A_265 = arith.constant 0 : i32
        %sign3A_266 = arith.cmpi sgt, %scan3A_80, %sign3A_265 : i32
        %sign3A_267 = arith.extui %sign3A_266 : i1 to i32
        %sign3A_268 = arith.constant 0 : i32
        %sign3A_269 = arith.cmpi slt, %scan3A_80, %sign3A_268 : i32
        %sign3A_270 = arith.extui %sign3A_269 : i1 to i32
        %sign3A_271 = arith.subi %sign3A_267, %sign3A_270 : i32
        %sign3A_272 = arith.constant 0 : i32
        %sign3A_273 = arith.cmpi sgt, %jit3A_263, %sign3A_272 : i32
        %sign3A_274 = arith.extui %sign3A_273 : i1 to i32
        %sign3A_275 = arith.constant 0 : i32
        %sign3A_276 = arith.cmpi slt, %jit3A_263, %sign3A_275 : i32
        %sign3A_277 = arith.extui %sign3A_276 : i1 to i32
        %sign3A_278 = arith.subi %sign3A_274, %sign3A_277 : i32
        %ne3A_279 = arith.cmpi ne, %sign3A_271, %sign3A_278 : i32
        %rem3A_280 = arith.remsi %scan3A_80, %jit3A_263 : i32
        %ne3A_281 = arith.constant 0 : i32
        %ne3A_282 = arith.cmpi ne, %rem3A_280, %ne3A_281 : i32
        %and3A_283 = arith.andi %ne3A_279, %ne3A_282 : i1
        %sub3A_284 = arith.constant 1 : i32
        %sub3A_285 = arith.subi %div3A_264, %sub3A_284 : i32
        %select_n3A_286 = arith.select %and3A_283, %sub3A_285, %div3A_264 : i32
        %jit3A_287 = arith.constant 8 : i32
        %eq3A_288 = arith.constant 0 : i32
        %eq3A_289 = arith.cmpi eq, %jit3A_287, %eq3A_288 : i32
        %jit3A_290 = arith.constant 1 : i32
        %select_n3A_291 = arith.select %eq3A_289, %jit3A_290, %jit3A_287 : i32
        %rem3A_292 = arith.remsi %scan3A_80, %select_n3A_291 : i32
        %ne3A_293 = arith.constant 0 : i32
        %ne3A_294 = arith.cmpi ne, %rem3A_292, %ne3A_293 : i32
        %lt3A_295 = arith.constant 0 : i32
        %lt3A_296 = arith.cmpi slt, %rem3A_292, %lt3A_295 : i32
        %lt3A_297 = arith.constant 0 : i32
        %lt3A_298 = arith.cmpi slt, %select_n3A_291, %lt3A_297 : i32
        %ne3A_299 = arith.xori %lt3A_296, %lt3A_298 : i1
        %and3A_300 = arith.andi %ne3A_299, %ne3A_294 : i1
        %add3A_301 = arith.addi %rem3A_292, %select_n3A_291 : i32
        %select_n3A_302 = arith.select %and3A_300, %add3A_301, %rem3A_292 : i32
        %swap3A_303 = arith.index_cast %select_n3A_286 : i32 to index
        %swap3A_304 = arith.index_cast %select_n3A_302 : i32 to index
        %swap3A_305 = arith.constant 64 : index
        %swap3A_306 = tpu.vector_load %arg7[%swap3A_303, %swap3A_304, %swap3A_305] {strides = array<i32>} : memref<8x8x128xf32, #tpu.memory_space<vmem>>, vector<16xf32>,
        tpu.vector_store %arg7[%swap3A_303, %swap3A_304, %swap3A_305], %gather3A_262 {strides = array<i32>} : memref<8x8x128xf32, #tpu.memory_space<vmem>>, vector<16xf32>,
        %gather3A_307 = tpu.vector_load_idx %arg6[%add3A_20, %add3A_83] : memref<128x64xf32, #tpu.memory_space<vmem>>[vector<16xi32>, vector<16xi32>], vector<16xf32>,
        %jit3A_308 = arith.constant 8 : i32
        %div3A_309 = arith.divsi %scan3A_80, %jit3A_308 : i32
        %sign3A_310 = arith.constant 0 : i32
        %sign3A_311 = arith.cmpi sgt, %scan3A_80, %sign3A_310 : i32
        %sign3A_312 = arith.extui %sign3A_311 : i1 to i32
        %sign3A_313 = arith.constant 0 : i32
        %sign3A_314 = arith.cmpi slt, %scan3A_80, %sign3A_313 : i32
        %sign3A_315 = arith.extui %sign3A_314 : i1 to i32
        %sign3A_316 = arith.subi %sign3A_312, %sign3A_315 : i32
        %sign3A_317 = arith.constant 0 : i32
        %sign3A_318 = arith.cmpi sgt, %jit3A_308, %sign3A_317 : i32
        %sign3A_319 = arith.extui %sign3A_318 : i1 to i32
        %sign3A_320 = arith.constant 0 : i32
        %sign3A_321 = arith.cmpi slt, %jit3A_308, %sign3A_320 : i32
        %sign3A_322 = arith.extui %sign3A_321 : i1 to i32
        %sign3A_323 = arith.subi %sign3A_319, %sign3A_322 : i32
        %ne3A_324 = arith.cmpi ne, %sign3A_316, %sign3A_323 : i32
        %rem3A_325 = arith.remsi %scan3A_80, %jit3A_308 : i32
        %ne3A_326 = arith.constant 0 : i32
        %ne3A_327 = arith.cmpi ne, %rem3A_325, %ne3A_326 : i32
        %and3A_328 = arith.andi %ne3A_324, %ne3A_327 : i1
        %sub3A_329 = arith.constant 1 : i32
        %sub3A_330 = arith.subi %div3A_309, %sub3A_329 : i32
        %select_n3A_331 = arith.select %and3A_328, %sub3A_330, %div3A_309 : i32
        %jit3A_332 = arith.constant 8 : i32
        %eq3A_333 = arith.constant 0 : i32
        %eq3A_334 = arith.cmpi eq, %jit3A_332, %eq3A_333 : i32
        %jit3A_335 = arith.constant 1 : i32
        %select_n3A_336 = arith.select %eq3A_334, %jit3A_335, %jit3A_332 : i32
        %rem3A_337 = arith.remsi %scan3A_80, %select_n3A_336 : i32
        %ne3A_338 = arith.constant 0 : i32
        %ne3A_339 = arith.cmpi ne, %rem3A_337, %ne3A_338 : i32
        %lt3A_340 = arith.constant 0 : i32
        %lt3A_341 = arith.cmpi slt, %rem3A_337, %lt3A_340 : i32
        %lt3A_342 = arith.constant 0 : i32
        %lt3A_343 = arith.cmpi slt, %select_n3A_336, %lt3A_342 : i32
        %ne3A_344 = arith.xori %lt3A_341, %lt3A_343 : i1
        %and3A_345 = arith.andi %ne3A_344, %ne3A_339 : i1
        %add3A_346 = arith.addi %rem3A_337, %select_n3A_336 : i32
        %select_n3A_347 = arith.select %and3A_345, %add3A_346, %rem3A_337 : i32
        %swap3A_348 = arith.index_cast %select_n3A_331 : i32 to index
        %swap3A_349 = arith.index_cast %select_n3A_347 : i32 to index
        %swap3A_350 = arith.constant 80 : index
        %swap3A_351 = tpu.vector_load %arg7[%swap3A_348, %swap3A_349, %swap3A_350] {strides = array<i32>} : memref<8x8x128xf32, #tpu.memory_space<vmem>>, vector<16xf32>,
        tpu.vector_store %arg7[%swap3A_348, %swap3A_349, %swap3A_350], %gather3A_307 {strides = array<i32>} : memref<8x8x128xf32, #tpu.memory_space<vmem>>, vector<16xf32>,
        %gather3A_352 = tpu.vector_load_idx %arg6[%add3A_23, %add3A_83] : memref<128x64xf32, #tpu.memory_space<vmem>>[vector<16xi32>, vector<16xi32>], vector<16xf32>,
        %jit3A_353 = arith.constant 8 : i32
        %div3A_354 = arith.divsi %scan3A_80, %jit3A_353 : i32
        %sign3A_355 = arith.constant 0 : i32
        %sign3A_356 = arith.cmpi sgt, %scan3A_80, %sign3A_355 : i32
        %sign3A_357 = arith.extui %sign3A_356 : i1 to i32
        %sign3A_358 = arith.constant 0 : i32
        %sign3A_359 = arith.cmpi slt, %scan3A_80, %sign3A_358 : i32
        %sign3A_360 = arith.extui %sign3A_359 : i1 to i32
        %sign3A_361 = arith.subi %sign3A_357, %sign3A_360 : i32
        %sign3A_362 = arith.constant 0 : i32
        %sign3A_363 = arith.cmpi sgt, %jit3A_353, %sign3A_362 : i32
        %sign3A_364 = arith.extui %sign3A_363 : i1 to i32
        %sign3A_365 = arith.constant 0 : i32
        %sign3A_366 = arith.cmpi slt, %jit3A_353, %sign3A_365 : i32
        %sign3A_367 = arith.extui %sign3A_366 : i1 to i32
        %sign3A_368 = arith.subi %sign3A_364, %sign3A_367 : i32
        %ne3A_369 = arith.cmpi ne, %sign3A_361, %sign3A_368 : i32
        %rem3A_370 = arith.remsi %scan3A_80, %jit3A_353 : i32
        %ne3A_371 = arith.constant 0 : i32
        %ne3A_372 = arith.cmpi ne, %rem3A_370, %ne3A_371 : i32
        %and3A_373 = arith.andi %ne3A_369, %ne3A_372 : i1
        %sub3A_374 = arith.constant 1 : i32
        %sub3A_375 = arith.subi %div3A_354, %sub3A_374 : i32
        %select_n3A_376 = arith.select %and3A_373, %sub3A_375, %div3A_354 : i32
        %jit3A_377 = arith.constant 8 : i32
        %eq3A_378 = arith.constant 0 : i32
        %eq3A_379 = arith.cmpi eq, %jit3A_377, %eq3A_378 : i32
        %jit3A_380 = arith.constant 1 : i32
        %select_n3A_381 = arith.select %eq3A_379, %jit3A_380, %jit3A_377 : i32
        %rem3A_382 = arith.remsi %scan3A_80, %select_n3A_381 : i32
        %ne3A_383 = arith.constant 0 : i32
        %ne3A_384 = arith.cmpi ne, %rem3A_382, %ne3A_383 : i32
        %lt3A_385 = arith.constant 0 : i32
        %lt3A_386 = arith.cmpi slt, %rem3A_382, %lt3A_385 : i32
        %lt3A_387 = arith.constant 0 : i32
        %lt3A_388 = arith.cmpi slt, %select_n3A_381, %lt3A_387 : i32
        %ne3A_389 = arith.xori %lt3A_386, %lt3A_388 : i1
        %and3A_390 = arith.andi %ne3A_389, %ne3A_384 : i1
        %add3A_391 = arith.addi %rem3A_382, %select_n3A_381 : i32
        %select_n3A_392 = arith.select %and3A_390, %add3A_391, %rem3A_382 : i32
        %swap3A_393 = arith.index_cast %select_n3A_376 : i32 to index
        %swap3A_394 = arith.index_cast %select_n3A_392 : i32 to index
        %swap3A_395 = arith.constant 96 : index
        %swap3A_396 = tpu.vector_load %arg7[%swap3A_393, %swap3A_394, %swap3A_395] {strides = array<i32>} : memref<8x8x128xf32, #tpu.memory_space<vmem>>, vector<16xf32>,
        tpu.vector_store %arg7[%swap3A_393, %swap3A_394, %swap3A_395], %gather3A_352 {strides = array<i32>} : memref<8x8x128xf32, #tpu.memory_space<vmem>>, vector<16xf32>,
        %gather3A_397 = tpu.vector_load_idx %arg6[%add3A_26, %add3A_83] : memref<128x64xf32, #tpu.memory_space<vmem>>[vector<16xi32>, vector<16xi32>], vector<16xf32>,
        %jit3A_398 = arith.constant 8 : i32
        %div3A_399 = arith.divsi %scan3A_80, %jit3A_398 : i32
        %sign3A_400 = arith.constant 0 : i32
        %sign3A_401 = arith.cmpi sgt, %scan3A_80, %sign3A_400 : i32
        %sign3A_402 = arith.extui %sign3A_401 : i1 to i32
        %sign3A_403 = arith.constant 0 : i32
        %sign3A_404 = arith.cmpi slt, %scan3A_80, %sign3A_403 : i32
        %sign3A_405 = arith.extui %sign3A_404 : i1 to i32
        %sign3A_406 = arith.subi %sign3A_402, %sign3A_405 : i32
        %sign3A_407 = arith.constant 0 : i32
        %sign3A_408 = arith.cmpi sgt, %jit3A_398, %sign3A_407 : i32
        %sign3A_409 = arith.extui %sign3A_408 : i1 to i32
        %sign3A_410 = arith.constant 0 : i32
        %sign3A_411 = arith.cmpi slt, %jit3A_398, %sign3A_410 : i32
        %sign3A_412 = arith.extui %sign3A_411 : i1 to i32
        %sign3A_413 = arith.subi %sign3A_409, %sign3A_412 : i32
        %ne3A_414 = arith.cmpi ne, %sign3A_406, %sign3A_413 : i32
        %rem3A_415 = arith.remsi %scan3A_80, %jit3A_398 : i32
        %ne3A_416 = arith.constant 0 : i32
        %ne3A_417 = arith.cmpi ne, %rem3A_415, %ne3A_416 : i32
        %and3A_418 = arith.andi %ne3A_414, %ne3A_417 : i1
        %sub3A_419 = arith.constant 1 : i32
        %sub3A_420 = arith.subi %div3A_399, %sub3A_419 : i32
        %select_n3A_421 = arith.select %and3A_418, %sub3A_420, %div3A_399 : i32
        %jit3A_422 = arith.constant 8 : i32
        %eq3A_423 = arith.constant 0 : i32
        %eq3A_424 = arith.cmpi eq, %jit3A_422, %eq3A_423 : i32
        %jit3A_425 = arith.constant 1 : i32
        %select_n3A_426 = arith.select %eq3A_424, %jit3A_425, %jit3A_422 : i32
        %rem3A_427 = arith.remsi %scan3A_80, %select_n3A_426 : i32
        %ne3A_428 = arith.constant 0 : i32
        %ne3A_429 = arith.cmpi ne, %rem3A_427, %ne3A_428 : i32
        %lt3A_430 = arith.constant 0 : i32
        %lt3A_431 = arith.cmpi slt, %rem3A_427, %lt3A_430 : i32
        %lt3A_432 = arith.constant 0 : i32
        %lt3A_433 = arith.cmpi slt, %select_n3A_426, %lt3A_432 : i32
        %ne3A_434 = arith.xori %lt3A_431, %lt3A_433 : i1
        %and3A_435 = arith.andi %ne3A_434, %ne3A_429 : i1
        %add3A_436 = arith.addi %rem3A_427, %select_n3A_426 : i32
        %select_n3A_437 = arith.select %and3A_435, %add3A_436, %rem3A_427 : i32
        %swap3A_438 = arith.index_cast %select_n3A_421 : i32 to index
        %swap3A_439 = arith.index_cast %select_n3A_437 : i32 to index
        %swap3A_440 = arith.constant 112 : index
        %swap3A_441 = tpu.vector_load %arg7[%swap3A_438, %swap3A_439, %swap3A_440] {strides = array<i32>} : memref<8x8x128xf32, #tpu.memory_space<vmem>>, vector<16xf32>,
        tpu.vector_store %arg7[%swap3A_438, %swap3A_439, %swap3A_440], %gather3A_397 {strides = array<i32>} : memref<8x8x128xf32, #tpu.memory_space<vmem>>, vector<16xf32>,
      }
      %scan3A_79 = arith.constant 64 : i32
      "tpu.region"() ({
        %run_scoped3A = tpu.sem_alloc : memref<!tpu.dma_semaphore, #tpu.memory_space<semaphore_mem>>
        %dma_start3A_80 = arith.constant 0 : i32
        %dma_start3A_81 = arith.constant 0 : i32
        %dma_start3A_82 = arith.constant 0 : i32
        %dma_start3A_83 = tpu.memref_slice %arg4[%select_n3A, %dma_start3A_80, %select_n3A_63, %dma_start3A_81, %dma_start3A_82] : memref<200x8x32x8x128xf32, #tpu.memory_space<hbm>> -> memref<1x8x1x8x128xf32, #tpu.memory_space<hbm>>
        %dma_start3A_84 = tpu.memref_squeeze %dma_start3A_83 : memref<1x8x1x8x128xf32, #tpu.memory_space<hbm>> -> memref<8x8x128xf32, #tpu.memory_space<hbm>>
        %dma_start3A_85 = arith.constant 0 : i32
        %dma_start3A_86 = arith.constant 0 : i32
        %dma_start3A_87 = arith.constant 0 : i32
        %dma_start3A_88 = tpu.memref_slice %arg4[%select_n3A, %dma_start3A_85, %select_n3A_63, %dma_start3A_86, %dma_start3A_87] : memref<200x8x32x8x128xf32, #tpu.memory_space<hbm>> -> memref<1x8x1x8x128xf32, #tpu.memory_space<hbm>>
        %dma_start3A_89 = tpu.memref_squeeze %dma_start3A_88 : memref<1x8x1x8x128xf32, #tpu.memory_space<hbm>> -> memref<8x8x128xf32, #tpu.memory_space<hbm>>
        tpu.enqueue_dma source(%arg7 : memref<8x8x128xf32, #tpu.memory_space<vmem>>) target(%dma_start3A_89 : memref<8x8x128xf32, #tpu.memory_space<hbm>>) target_semaphore(%run_scoped3A : memref<!tpu.dma_semaphore, #tpu.memory_space<semaphore_mem>>)
        %dma_wait3A_90 = arith.constant 0 : i32
        %dma_wait3A_91 = arith.constant 0 : i32
        %dma_wait3A_92 = arith.constant 0 : i32
        %dma_wait3A_93 = tpu.memref_slice %arg4[%select_n3A, %dma_wait3A_90, %select_n3A_63, %dma_wait3A_91, %dma_wait3A_92] : memref<200x8x32x8x128xf32, #tpu.memory_space<hbm>> -> memref<1x8x1x8x128xf32, #tpu.memory_space<hbm>>
        %dma_wait3A_94 = tpu.memref_squeeze %dma_wait3A_93 : memref<1x8x1x8x128xf32, #tpu.memory_space<hbm>> -> memref<8x8x128xf32, #tpu.memory_space<hbm>>
        %dma_wait3A_95 = arith.constant 0 : i32
        %dma_wait3A_96 = arith.constant 0 : i32
        %dma_wait3A_97 = arith.constant 0 : i32
        %dma_wait3A_98 = tpu.memref_slice %arg4[%select_n3A, %dma_wait3A_95, %select_n3A_63, %dma_wait3A_96, %dma_wait3A_97] : memref<200x8x32x8x128xf32, #tpu.memory_space<hbm>> -> memref<1x8x1x8x128xf32, #tpu.memory_space<hbm>>
        %dma_wait3A_99 = tpu.memref_squeeze %dma_wait3A_98 : memref<1x8x1x8x128xf32, #tpu.memory_space<hbm>> -> memref<8x8x128xf32, #tpu.memory_space<hbm>>
        tpu.wait_dma2 semaphore(%run_scoped3A : memref<!tpu.dma_semaphore, #tpu.memory_space<semaphore_mem>>) src(%arg7 : memref<8x8x128xf32, #tpu.memory_space<vmem>>) dst(%dma_wait3A_99 : memref<8x8x128xf32, #tpu.memory_space<hbm>>)
        tpu.yield
      }) : () -> ()
    }
    %scan3A_31 = arith.constant 200 : i32
    return
  }
}

</mosaic_0001>

<sc_bundles>
// kernel: kernel.3.cloned.1.call-start
scs
__scs_entry_jumppad:
0x0: {  	(pc) =	sbr.rel $0x88, $3  }
0x1: {  	(tag) =	ssettag $0x0;
	lr =	simm.s32 $0x1  }
0x2: {  	[smem:$0x3F9F] =	sst lr;
	_ =	strace $0xD0000000  }
0x3: {  	_ = 	snop  }
0x4: {  	_ = 	snop  }
0x5: {  	_ = 	snop  }
0x6: {  	_ = 	snop  }
0x7: {  	_ = 	snop  }
__scs_overlays_trampoline_lowered:
0x8: {  	[smem:$0x3FAE] =	sst s0  }
0x9: {  	[smem:$0x3FAF] =	sst s1  }
0xa: {  	[smem:$0x3FB0] =	sst s2  }
0xb: {  	[smem:$0x3FB1] =	sst s3  }
0xc: {  	[smem:$0x3FB2] =	sst s4  }
0xd: {  	[smem:$0x3FB3] =	sst s5  }
0xe: {  	[smem:$0x3FB4] =	sst s6  }
0xf: {  	[smem:$0x3FB5] =	sst s7  }
0x10: {  	[smem:$0x3FB6] =	sst s8  }
0x11: {  	[smem:$0x3FB7] =	sst s9;
	s0 =	simm.s32 @!p0 $0x0  }
0x12: {  	s1 =	sld [smem:$0x3F9D];
	s0 =	simm.s32 @p0 $0x1  }
0x13: {  	[smem:$0x3FB8] =	sst s0;
	s0 =	simm.s32 @!p1 $0x0  }
0x14: {  	s2 =	sld [smem:$0x3F9C];
	s0 =	simm.s32 @p1 $0x1  }
0x15: {  	[smem:$0x3FB9] =	sst s0;
	s0 =	simm.s32 @!p2 $0x0  }
0x16: {  	s3 =	sld [smem:$0x3FDB];
	s0 =	simm.s32 @p2 $0x1  }
0x17: {  	s4 =	simm.s32 $0x1BF5;
	[smem:$0x3FBB] =	sst s0  }
0x18: {  	s0 =	sld [smem:$0x3F9E];
	_ =	swait.ge [sflag:s4], $0x0  }
0x19: {  	s7 =	sld [smem:$0x3F9F]  }
0x1a: {  	s8 =	sadd.s32 $0xFFFFE003, lr  }
0x1b: {  	s9 =	sadd.s32 $0xFFFFFEF7, lr;
	s5 =	simm.s32 $0xFFFFFFFF;
	p2 =	slt.u32 s8, $0xFFFFF086  }
0x1c: {  	p1 =	slt.u32 s9, $0xF7A;
	s5 =	simm.s32 @!p2 $0x0  }
0x1d: {  	s5 =	simm.s32 @p1 $0x1;
	p0 =	seq.s32 s7, s2  }
0x1e: {  	s7 =	smul.u32 @!p0 $0xF7A, s2;
	p2 =	seq.s32 @!p0 s5, $0x0  }
0x1f: {  	s9 =	smul.u32 $0xF7A, s1;
	s8 =	simm.s32 @!p0 $0x1BF5;
	p2 =	por !p2, p0  }
0x20: {  	[sflag:s8] =	ssyncset.s32 @!p0 $0xFFFFF086;
	s6 =	sadd.s32 @!p0 s3, s7;
	s7 =	simm.s32 @!p0 $0x108  }
0x21: {  	s3 =	sadd.s32 s3, s9;
	s6 =	sadd.s32 @!p0 $0x88, s6;
	s7 =	simm.s32 @p2 $0x1082  }
0x22: {  	[simem:s7], [sflag:s8] =	dma.local @!p0 [hbm:s6], $0xF7A  }
0x23: {  	s9 =	sor.u32 $0xD0000000, s2;
	s6 =	simm.s32 $0x108;
	_ =	swait.ge @!p0 [sflag:s8], $0x0  }
0x24: {  	s3 =	sadd.s32 $0x88, s3;
	s6 =	simm.s32 @!p1 $0x1082;
	[sflag:s4] =	ssyncset.s32 $0xFFFFF086  }
0x25: {  	[simem:s6], [sflag:s4] =	dma.local [hbm:s3], $0xF7A  }
0x26: {  	[smem:$0x3F9F] =	sst s1;
	(tag) =	ssettag s2;
	_ =	strace s9  }
0x27: {  	s1 =	sld [smem:$0x3FAF]  }
0x28: {  	s2 =	sld [smem:$0x3FB0]  }
0x29: {  	s4 =	sld [smem:$0x3FB2]  }
0x2a: {  	p0 =	seq.s32 s5, $0x0;
	s5 =	sld [smem:$0x3FB3]  }
0x2b: {  	s6 =	sld [smem:$0x3FB4]  }
0x2c: {  	s7 =	sld [smem:$0x3FB5]  }
0x2d: {  	s3 =	simm.s32 $0x108;
	s8 =	sld [smem:$0x3FB6]  }
0x2e: {  	s3 =	simm.s32 @!p0 $0x1082;
	s9 =	sld [smem:$0x3FB7]  }
0x2f: {  	lr =	sadd.s32 s0, s3;
	s0 =	sld [smem:$0x3FAE]  }
0x30: {  	s3 =	sld [smem:$0x3FB1]  }
0x31: {  	[smem:$0x3FBA] =	sst s10  }
0x32: {  	s10 =	sld [smem:$0x3FB8];
	_ =	sdelay $0x3  }
0x33: {  	p0 =	seq.s32 s10, $0x1;
	s10 =	sld [smem:$0x3FBA];
	_ =	sdelay $0x3  }
0x34: {  	[smem:$0x3FBA] =	sst s10  }
0x35: {  	s10 =	sld [smem:$0x3FB9];
	_ =	sdelay $0x3  }
0x36: {  	p1 =	seq.s32 s10, $0x1;
	s10 =	sld [smem:$0x3FBA];
	_ =	sdelay $0x3  }
0x37: {  	[smem:$0x3FBA] =	sst s10  }
0x38: {  	s10 =	sld [smem:$0x3FBB]  }
0x39: {  	_ = 	snop;
	(pc) =	sbr.ind lr, $3  }
0x3a: {  	_ = 	snop  }
0x3b: {  	_ = 	snop  }
0x3c: {  	p2 =	seq.s32 s10, $0x1;
	s10 =	sld [smem:$0x3FBA]  }
0x3d: {  	_ =	shalt  }
0x3e: {  	_ =	shalt  }
0x3f: {  	_ =	shalt  }
0x40: {  	_ =	shalt  }
0x41: {  	_ =	shalt  }
0x42: {  	_ =	shalt  }
0x43: {  	_ =	shalt  }
0x44: {  	_ =	shalt  }
0x45: {  	_ =	shalt  }
0x46: {  	_ =	shalt  }
0x47: {  	_ =	shalt  }
0x48: {  	_ =	shalt  }
0x49: {  	_ =	shalt  }
0x4a: {  	_ =	shalt  }
0x4b: {  	_ =	shalt  }
0x4c: {  	_ =	shalt  }
0x4d: {  	_ =	shalt  }
0x4e: {  	_ =	shalt  }
0x4f: {  	_ =	shalt  }
0x50: {  	_ =	shalt  }
0x51: {  	_ =	shalt  }
0x52: {  	_ =	shalt  }
0x53: {  	_ =	shalt  }
0x54: {  	_ =	shalt  }
0x55: {  	_ =	shalt  }
0x56: {  	_ =	shalt  }
0x57: {  	_ =	shalt  }
0x58: {  	_ =	shalt  }
0x59: {  	_ =	shalt  }
0x5a: {  	_ =	shalt  }
0x5b: {  	_ =	shalt  }
0x5c: {  	_ =	shalt  }
0x5d: {  	_ =	shalt  }
0x5e: {  	_ =	shalt  }
0x5f: {  	_ =	shalt  }
0x60: {  	_ =	shalt  }
0x61: {  	_ =	shalt  }
0x62: {  	_ =	shalt  }
0x63: {  	_ =	shalt  }
0x64: {  	_ =	shalt  }
0x65: {  	_ =	shalt  }
0x66: {  	_ =	shalt  }
0x67: {  	_ =	shalt  }
0x68: {  	_ =	shalt  }
0x69: {  	_ =	shalt  }
0x6a: {  	_ =	shalt  }
0x6b: {  	_ =	shalt  }
0x6c: {  	_ =	shalt  }
0x6d: {  	_ =	shalt  }
0x6e: {  	_ =	shalt  }
0x6f: {  	_ =	shalt  }
0x70: {  	_ =	shalt  }
0x71: {  	_ =	shalt  }
0x72: {  	_ =	shalt  }
0x73: {  	_ =	shalt  }
0x74: {  	_ =	shalt  }
0x75: {  	_ =	shalt  }
0x76: {  	_ =	shalt  }
0x77: {  	_ =	shalt  }
0x78: {  	_ =	shalt  }
0x79: {  	_ =	shalt  }
0x7a: {  	_ =	shalt  }
0x7b: {  	_ =	shalt  }
0x7c: {  	_ =	shalt  }
0x7d: {  	_ =	shalt  }
0x7e: {  	_ =	shalt  }
0x7f: {  	_ =	shalt  }
0x80: {  	_ =	shalt  }
0x81: {  	_ =	shalt  }
0x82: {  	_ =	shalt  }
0x83: {  	_ =	shalt  }
0x84: {  	_ =	shalt  }
0x85: {  	_ =	shalt  }
0x86: {  	_ =	shalt  }
0x87: {  	_ =	shalt  }
.Lfunc_end0:
.L_simem_size_0:
called_computation_lowered:
.L_overlay_start_0:
0x88: {  	s2 =	sld [smem:$0x3FD9]  }
0x89: {  	s3 =	sld [smem:$0x3FFE];
	_ =	sdelay $0x1  }
0x8a: {  	s1 =	srdreg.scid  }
0x8b: {  	s0 =	sand.u32 $0x1, s1  }
0x8c: {  	s17 =	sshll.u32 s0, $0xA;
	s2 =	sadd.s32 s3, s2  }
0x8d: {  	s2 =	sadd.s32 s2, s17  }
0x8e: {  	[smem:$0x3FC6] =	sst s2  }
0x8f: {  	_ = 	snop  }
0x90: {  	s2 =	sld [smem:$0x3FD0];
	(tm) =	ssettm $0x1  }
0x91: {  	s18 =	sld [smem:$0x3FFB];
	_ =	sdelay $0x3  }
0x92: {  	_ =	strace s18  }
0x93: {  	s3 =	sld [smem:$0x3FFC];
	_ =	sdelay $0x3  }
0x94: {  	_ =	strace s3  }
0x95: {  	s3 =	sld [smem:$0x3FFD];
	_ =	sdelay $0x3  }
0x96: {  	_ =	strace s3  }
0x97: {  	_ =	strace $0x8FFFFFFF  }
0x98: {  	s19 =	sld [smem:$0x3FDB];
	_ =	sdelay $0x1  }
0x99: {  	s4 =	simm.s32 $_scs_section_size  }
0x9a: {  	s5 =	simm.s32 $_size__tile_overlayer_lowered;
	s6 =	simm.s32 $_tile_overlayer_lowered  }
0x9b: {  	s22 =	simm.s32 $0x1BFF;
	s21 =	sshll.u32 s6, $0x1;
	s3 =	sadd.s32 s4, s19  }
0x9c: {  	s7 =	simm.s32 $0x0;
	s20 =	sshll.u32 s5, $0x1;
	s5 =	sadd.s32 s21, s3  }
0x9d: {  	[timem:s7], [sflag:s22] =	dma.local [hbm:s5], s20  }
0x9e: {  	_ =	swait.ge [sflag:s22], s20  }
0x9f: {  	s4 =	ssub.s32 $0x0, s20;
	[sflag:s22] =	ssyncset.done $0x0  }
0xa0: {  	[sflag:s22] =	ssyncadd.s32 s4;
	_ =	sdelay $0x1  }
0xa1: {  	s23 =	simm.s32 $0x1B8B  }
0xa2: {  	_ =	swait.ge [sflag:s23], $0x1  }
0xa3: {  	[sflag:s23] =	ssyncset.done $0x0  }
0xa4: {  	s25 =	simm.s32 $0x1B8E;
	s24 =	sld [smem:$0x3FFE];
	[sflag:s23] =	ssyncadd.s32 $0xFFFFFFFF  }
0xa5: {  	s26 =	simm.s32 $execute0_lowered;
	[smem:$0x3FD2] =	sst s25  }
0xa6: {  	s5 =	sshll.u32 s26, $0x1;
	_ =	strace $0x80000046;
	[dreg:$0x1] =	wrdreg $0xFFFFFFFF  }
0xa7: {  	s28 =	simm.s32 $_size_execute0_lowered;
	s3 =	sadd.s32 s3, s5;
	[dreg:$0x0] =	wrdreg $0x0  }
0xa8: {  	s5 =	sshll.u32 s28, $0x1;
	[dreg:$0x2] =	wrdreg s3  }
0xa9: {  	[dreg:$0x3] =	wrdreg s5  }
0xaa: {  	[dreg:$0x4] =	wrdreg $0xC0  }
0xab: {  	_ =	task [dreg:s7], $0x5FFFF  }
0xac: {  	[dreg:$0x1] =	wrdreg $0xFFFFFFFF  }
0xad: {  	[dreg:$0x0] =	wrdreg $0x60  }
0xae: {  	[dreg:$0x2] =	wrdreg s24  }
0xaf: {  	[dreg:$0x3] =	wrdreg s2  }
0xb0: {  	[dreg:$0x4] =	wrdreg $0x9  }
0xb1: {  	_ =	task.clear_ibuf [dreg:s7], $0x5FFFF;
	_ =	strace $0x90000046  }
0xb2: {  	s29 =	simm.s32 $0x9;
	_ =	strace $0x80000048  }
0xb3: {  	_ =	swait.ge [sflag:s29], $0x1  }
0xb4: {  	[sflag:s29] =	ssyncadd.s32 $0xFFFFFFFF  }
0xb5: {  	_ =	strace $0x90000048  }
0xb6: {  	_ =	sfence  }
0xb7: {  	s30 =	sld [smem:$0x0];
	_ =	sdelay $0x2  }
0xb8: {  	s31 =	sshll.u32 s1, $0xD;
	s1 =	sshrl.u32 s1, $0x2  }
0xb9: {  	s3 =	sand.u32 $0x4000, s31;
	s1 =	sadd.s32 s1, s30  }
0xba: {  	s0 =	sor.u32 s3, s0;
	s1 =	sshll.u32 s1, $0x11  }
0xbb: {  	s0 =	sor.u32 s1, s0  }
0xbc: {  	s0 =	sadd.s32 $0x8F2B, s0  }
0xbd: {  	[sflag:s0] =	ssyncadd.remote.s32 $0x1  }
0xbe: {  	_ =	sfence.sel $0xFFFF  }
0xbf: {  	[dreg:$0x0] =	wrdreg $0xFFFFFFFF;
	(pc) =	sbr.abs _section_cstart, $3  }
0xc0: {  	[dreg:$0x1] =	wrdreg $0xFFFFFFFF  }
0xc1: {  	_ =	task.clear_ibuf [dreg:s7], $0x2FFFF;
	_ =	strace $0x9FFFFFFF  }
0xc2: {  	(tm) =	ssettm $0x7FFFFFFF  }
0xc3: {  	_ =	shalt  }
tec
execute0_lowered:
.L_overlay_start_1:
0x0: {  	(tag) =	ssettag $0x1  }
0x1: {  	s4 =	rddreg [dreg:$0x0];
	s1 =	srdreg.scid  }
0x2: {  	s0 =	stileid.u32;
	s2 =	rddreg [dreg:$0x1]  }
0x3: {  	s3 =	simm.s32 $0x0;
	s9 =	simm.s32 $0x80;
	s10 =	simm.s32 $0x6400  }
0x4: {  	s11 =	simm.s32 $0x1;
	s12 =	simm.s32 $0x400;
	s13 =	simm.s32 $0x8000  }
0x5: {  	v0 =	vlaneseq.u32;
	s14 =	simm.s32 $0x8400;
	s5 =	sand.u32 $0x1, s1;
	s6 =	sshll.u32 s0, $0x1  }
0x6: {  	s15 =	simm.s32 $0x0;
	v0 =	vmul.u32 $0x40, v0;
	s6 =	sor.u32 s5, s6;
	s5 =	ssub.s32 $0x2, s5  }
0x7: {  	[smem:$0x7FF] =	sst s3;
	s7 =	smul.u32 $0xC80, s6;
	s8 =	sshrl.u32 s5, $0x1  }
0x8: {  	s1 =	rddreg [dreg:$0x2];
	_ =	strace $0x80000047;
	v1 =	vor.u32 $0x400, v0;
	s8 =	ssub.s32 s5, s8  }
0x9: {  	v2 =	vor.u32 $0x800, v0;
	v3 =	vor.u32 $0xC00, v0;
	v4 =	vor.u32 $0x1000, v0;
	s5 =	smul.u32 $0xC8, s6;
	s7 =	sadd.s32 s7, s4;
	s4 =	sadd.s32 $0xF42A00, s4  }
0xa: {  	v5 =	vor.u32 $0x1400, v0;
	v6 =	vor.u32 $0x1800, v0;
	v7 =	vor.u32 $0x1C00, v0;
	s6 =	sadd.s32 $0x600, s7;
	s7 =	smax.u32 s8, $0x1;
	s8 =	simm.s32 $0x2  }
.LBB2_1:
0xb: {  	[tilespmem:s3], [sflag:$0x2] =	stream.linear.gather [hbm4b:s6+s3], $0x6400, $0x38;
	[tilespmem:$0xA400] =	vst v63  }
0xc: {  	_ =	swait.ge [sflag:s8], $0x6400  }
0xd: {  	[sflag:s8] =	ssyncset.done $0x0  }
0xe: {  	s16 =	simm.s32 $0x0;
	[sflag:s8] =	ssyncadd.s32 $0xFFFF9C00  }
.LBB2_2:
0xf: {  	s17 =	simm.s32 $0x0  }
0x10: {  	v8 =	vmov s17  }
0x11: {  	v8 =	vand.u32 $0x3F, v8  }
0x12: {  	v8 =	vbroadcast v8, $0x0  }
0x13: {  	s31 =	sshll.u32 s16, $0x7  }
0x14: {  	s17 =	sand.u32 $0x3FFFFF80, s31;
	v9 =	vor.u32 v0, v8  }
0x15: {  	[tilespmem:s10], [sflag:$0x1] =	stream.indirect.gather [hbm4b:s4+s9], $0x40, s17, s9, $0xb8;
	[tilespmem:$0xA400] =	vst v63  }
0x16: {  	_ =	swait.ge [sflag:s11], $0x2000  }
0x17: {  	[sflag:s11] =	ssyncset.done $0x0  }
0x18: {  	[sflag:s11] =	ssyncadd.s32 $0xFFFFE000  }
0x19: {  	v9 =	vld.idx.msk [tilespmem:v9+s10+$0x0], $0xffff  }
0x1a: {  	v10 =	vor.u32 v1, v8;
	_ =	sdelay $0x2  }
0x1b: {  	s17 =	simm.s32 $0x8440  }
0x1c: {  	[tilespmem:s17+$0xFFFFFFC0] =	vst v9  }
0x1d: {  	v9 =	vld.idx.msk [tilespmem:v10+s10+$0x0], $0xffff  }
0x1e: {  	v10 =	vor.u32 v2, v8;
	_ =	sdelay $0x3  }
0x1f: {  	[tilespmem:s17+$0xFFFFFFD0] =	vst v9  }
0x20: {  	v9 =	vld.idx.msk [tilespmem:v10+s10+$0x0], $0xffff  }
0x21: {  	v10 =	vor.u32 v3, v8;
	_ =	sdelay $0x3  }
0x22: {  	[tilespmem:s17+$0xFFFFFFE0] =	vst v9  }
0x23: {  	v9 =	vld.idx.msk [tilespmem:v10+s10+$0x0], $0xffff  }
0x24: {  	v10 =	vor.u32 v4, v8;
	_ =	sdelay $0x3  }
0x25: {  	[tilespmem:s17+$0xFFFFFFF0] =	vst v9  }
0x26: {  	v9 =	vld.idx.msk [tilespmem:v10+s10+$0x0], $0xffff  }
0x27: {  	v10 =	vor.u32 v5, v8;
	_ =	sdelay $0x3  }
0x28: {  	[tilespmem:s17+$0x0] =	vst v9  }
0x29: {  	v9 =	vld.idx.msk [tilespmem:v10+s10+$0x0], $0xffff  }
0x2a: {  	v10 =	vor.u32 v6, v8;
	_ =	sdelay $0x3  }
0x2b: {  	[tilespmem:s17+$0x10] =	vst v9  }
0x2c: {  	v9 =	vld.idx.msk [tilespmem:v10+s10+$0x0], $0xffff  }
0x2d: {  	v8 =	vor.u32 v7, v8;
	_ =	sdelay $0x1  }
0x2e: {  	s18 =	simm.s32 $0x1  }
0x2f: {  	v10 =	vmov s18;
	s18 =	simm.s32 $0x2  }
.LBB2_3:
0x30: {  	p0 =	sne.s32 s18, $0x3F;
	v10 =	vand.u32 $0x3F, v10;
	[tilespmem:s17+$0x20] =	vst v9  }
0x31: {  	v10 =	vbroadcast v10, $0x0;
	v8 =	vld.idx.msk [tilespmem:v8+s10+$0x0], $0xffff;
	_ =	sdelay $0x1  }
0x32: {  	v9 =	vor.u32 v0, v10;
	_ =	sdelay $0x3  }
0x33: {  	[tilespmem:s17+$0x30] =	vst v8  }
0x34: {  	v8 =	vld.idx.msk [tilespmem:v9+s10+$0x0], $0xffff;
	_ =	sdelay $0x1  }
0x35: {  	v9 =	vor.u32 v1, v10;
	_ =	sdelay $0x2  }
0x36: {  	s17 =	sadd.s32 $0x80, s17  }
0x37: {  	[tilespmem:s17+$0xFFFFFFC0] =	vst v8  }
0x38: {  	v8 =	vld.idx.msk [tilespmem:v9+s10+$0x0], $0xffff;
	_ =	sdelay $0x1  }
0x39: {  	v9 =	vor.u32 v2, v10;
	_ =	sdelay $0x3  }
0x3a: {  	[tilespmem:s17+$0xFFFFFFD0] =	vst v8  }
0x3b: {  	v8 =	vld.idx.msk [tilespmem:v9+s10+$0x0], $0xffff;
	_ =	sdelay $0x1  }
0x3c: {  	v9 =	vor.u32 v3, v10;
	_ =	sdelay $0x3  }
0x3d: {  	[tilespmem:s17+$0xFFFFFFE0] =	vst v8  }
0x3e: {  	v8 =	vld.idx.msk [tilespmem:v9+s10+$0x0], $0xffff;
	_ =	sdelay $0x1  }
0x3f: {  	v9 =	vor.u32 v4, v10;
	_ =	sdelay $0x3  }
0x40: {  	[tilespmem:s17+$0xFFFFFFF0] =	vst v8  }
0x41: {  	v8 =	vld.idx.msk [tilespmem:v9+s10+$0x0], $0xffff;
	_ =	sdelay $0x1  }
0x42: {  	v9 =	vor.u32 v5, v10;
	_ =	sdelay $0x3  }
0x43: {  	[tilespmem:s17+$0x0] =	vst v8  }
0x44: {  	v8 =	vld.idx.msk [tilespmem:v9+s10+$0x0], $0xffff;
	_ =	sdelay $0x1  }
0x45: {  	v9 =	vor.u32 v6, v10;
	_ =	sdelay $0x3  }
0x46: {  	[tilespmem:s17+$0x10] =	vst v8  }
0x47: {  	v9 =	vld.idx.msk [tilespmem:v9+s10+$0x0], $0xffff  }
.Ltmp0:
0x48: {  	(pc) =	sbr.rel @p0 .LBB2_3-.Ltmp0, $2  }
0x49: {  	v8 =	vor.u32 v7, v10;
	_ =	sdelay $0x2  }
0x4a: {  	v10 =	vmov s18;
	s18 =	sadd.s32 $0x1, s18  }
0x4b: {  	_ =	sdelay $0x1  }
0x4c: {  	v10 =	vand.u32 $0x3F, v10  }
0x4d: {  	[tilespmem:s17+$0x20] =	vst v9;
	v57 =	vbroadcast v10, $0x0  }
0x4e: {  	v8 =	vld.idx.msk [tilespmem:v8+s10+$0x0], $0xffff  }
0x4f: {  	v10 =	vor.u32 v0, v57;
	_ =	sdelay $0x3  }
0x50: {  	[tilespmem:s17+$0x30] =	vst v8  }
0x51: {  	v8 =	vld.idx.msk [tilespmem:v10+s10+$0x0], $0xffff  }
0x52: {  	v58 =	vor.u32 v1, v57;
	_ =	sdelay $0x2  }
0x53: {  	s30 =	sadd.s32 $0x80, s17  }
0x54: {  	[tilespmem:s30+$0xFFFFFFC0] =	vst v8  }
0x55: {  	v8 =	vld.idx.msk [tilespmem:v58+s10+$0x0], $0xffff  }
0x56: {  	v59 =	vor.u32 v2, v57;
	_ =	sdelay $0x3  }
0x57: {  	[tilespmem:s30+$0xFFFFFFD0] =	vst v8  }
0x58: {  	v8 =	vld.idx.msk [tilespmem:v59+s10+$0x0], $0xffff  }
0x59: {  	v60 =	vor.u32 v3, v57;
	_ =	sdelay $0x3  }
0x5a: {  	[tilespmem:s30+$0xFFFFFFE0] =	vst v8  }
0x5b: {  	v8 =	vld.idx.msk [tilespmem:v60+s10+$0x0], $0xffff  }
0x5c: {  	v61 =	vor.u32 v4, v57;
	_ =	sdelay $0x3  }
0x5d: {  	[tilespmem:s30+$0xFFFFFFF0] =	vst v8  }
0x5e: {  	v8 =	vld.idx.msk [tilespmem:v61+s10+$0x0], $0xffff  }
0x5f: {  	v62 =	vor.u32 v5, v57;
	_ =	sdelay $0x3  }
0x60: {  	[tilespmem:s30+$0x0] =	vst v8  }
0x61: {  	v8 =	vld.idx.msk [tilespmem:v62+s10+$0x0], $0xffff  }
0x62: {  	v63 =	vor.u32 v6, v57;
	_ =	sdelay $0x3  }
0x63: {  	[tilespmem:s30+$0x10] =	vst v8  }
0x64: {  	v8 =	vld.idx.msk [tilespmem:v63+s10+$0x0], $0xffff  }
0x65: {  	v9 =	vor.u32 v7, v57;
	_ =	sdelay $0x3  }
0x66: {  	[tilespmem:s30+$0x20] =	vst v8  }
0x67: {  	v8 =	vld.idx.msk [tilespmem:v9+s10+$0x0], $0xffff  }
0x68: {  	s18 =	sadd.s32 s5, s16  }
0x69: {  	s19 =	sshll.u32 s18, $0x7  }
0x6a: {  	s16 =	sadd.s32 $0x1, s16;
	s18 =	sshll.u32 s18, $0xA;
	s19 =	sand.u32 $0xF80, s19  }
0x6b: {  	p0 =	sne.s32 s16, $0xC8;
	s18 =	sand.u32 $0xFFF8000, s18;
	s19 =	sadd.s32 s2, s19  }
.Ltmp1:
0x6c: {  	s31 =	sadd.s32 s18, s19;
	[tilespmem:s30+$0x30] =	vst v8;
	(pc) =	sbr.rel @p0 .LBB2_2-.Ltmp1, $4  }
0x6d: {  	[hbm4b:s31+s12] =	stream.strided.scatter [tilespmem:s14], [sflag:$0x2], $0x2000, s13, s12, $0x38;
	[tilespmem:$0xA400] =	vst v63  }
0x6e: {  	_ =	swait.ge [sflag:s8], $0x2000  }
0x6f: {  	[sflag:s8] =	ssyncset.done $0x0  }
0x70: {  	[sflag:s8] =	ssyncadd.s32 $0xFFFFE000  }
0x71: {  	s15 =	sadd.s32 $0x1, s15  }
0x72: {  	p0 =	sne.s32 s15, s7  }
.Ltmp2:
0x73: {  	_ = 	snop;
	(pc) =	sbr.rel @p0 .LBB2_1-.Ltmp2, $1  }
0x74: {  	_ =	sdelay $0x3  }
0x75: {  	_ =	sfence.sel $0x180000  }
0x76: {  	[bflag:$0x0] =	sbarrier.arrive $0xFFFF  }
0x77: {  	p0 =	sne.s32 s0, $0x0;
	_ =	strace $0x90000047  }
0x78: {  	s0 =	sadd.s32 @!p0 $0x100000, s1;
	[bflag:$0x2] =	sbarrier.arrive $0xFFFF  }
0x79: {  	[sflag:s0] =	ssyncadd.tile.s32 @!p0 $0x1;
	_ =	shalt  }
.Lfunc_end2:
_tile_overlayer_lowered:
.L_overlay_start_2:
0x7a: {  	(tag) =	ssettag $0x2  }
0x7b: {  	s0 =	rddreg [dreg:$0x0];
	s2 =	stileid.u32  }
0x7c: {  	s1 =	rddreg [dreg:$0x1];
	p0 =	sne.s32 s2, $0x0  }
0x7d: {  	s3 =	rddreg [dreg:$0x2];
	[bflag:$0x3] =	sbarrier.arrive $0xFFFF;
	s2 =	simm.s32 @!p0 $0x1C02  }
0x7e: {  	[timem:s3], [sflag:s2] =	dma.local @!p0 [hbm:s0], s1  }
0x7f: {  	s0 =	simm.s32 @!p0 $0x2  }
0x80: {  	_ =	swait.ge @!p0 [sflag:s0], s1  }
0x81: {  	s1 =	ssub.s32 @!p0 $0x0, s1;
	[sflag:s0] =	ssyncset.done @!p0 $0x0  }
0x82: {  	[sflag:s0] =	ssyncadd.s32 @!p0 s1  }
0x83: {  	[bflag:$0x3] =	sbarrier.arrive $0xFFFF  }
0x84: {  	_ =	shalt  }

</sc_bundles>
